<compile_context>
chip_gen: v7x
topology: tpu7x:2x2x1
jax: 0.10.2.dev20260603
libtpu: 0.0.44.dev20260713+nightly
codegen_flags: <defaults>
</compile_context>

<pallas_src>
import functools

import jax
import jax.numpy as jnp
from jax import lax
from jax.experimental import pallas as pl
from jax.experimental.pallas import tpu as pltpu
from jax.experimental.pallas import tpu_sc as plsc

_LANES = 16


@functools.lru_cache(maxsize=None)
def _make_pool_kernel(B, CTX, D, NC, NS):
    NW = NC * NS
    b_per_w = B // NW
    n_idx = b_per_w * CTX
    inv_ctx = 1.0 / CTX

    mesh = plsc.VectorSubcoreMesh(
        core_axis_name="c", subcore_axis_name="s", num_cores=NC, num_subcores=NS
    )

    CH = 128
    n_chunks = n_idx // CH
    assert n_chunks * CH == n_idx

    @functools.partial(
        pl.kernel,
        mesh=mesh,
        out_type=jax.ShapeDtypeStruct((B, D), jnp.float32),
        scratch_types=[
            pltpu.VMEM((n_idx,), jnp.int32),
            pltpu.VMEM((n_idx, D), jnp.float32),
            pltpu.VMEM((b_per_w, D), jnp.float32),
            pltpu.SemaphoreType.DMA,
        ],
        compiler_params=pltpu.CompilerParams(use_tc_tiling_on_sc=False),
    )
    def pool(idx_hbm, table_hbm, out_hbm, idx_v, rows_v, pooled_v, sem):
        wid = lax.axis_index("s") * NC + lax.axis_index("c")
        pltpu.sync_copy(idx_hbm.at[pl.ds(wid * n_idx, n_idx)], idx_v)
        copies = [
            pltpu.async_copy(
                table_hbm.at[idx_v.at[pl.ds(c * CH, CH)]],
                rows_v.at[pl.ds(c * CH, CH)],
                sem,
            )
            for c in range(n_chunks)
        ]
        for cp in copies:
            cp.wait()

        def batch_body(i, carry):
            base = i * CTX

            def ctx_body(j, acc):
                a0, a1 = acc
                r = base + j
                a0 = a0 + rows_v[r, pl.ds(0, _LANES)]
                a1 = a1 + rows_v[r, pl.ds(_LANES, _LANES)]
                return (a0, a1)

            zero = jnp.zeros((_LANES,), jnp.float32)
            a0, a1 = lax.fori_loop(0, CTX, ctx_body, (zero, zero))
            pooled_v[i, pl.ds(0, _LANES)] = a0 * inv_ctx
            pooled_v[i, pl.ds(_LANES, _LANES)] = a1 * inv_ctx
            return carry

        lax.fori_loop(0, b_per_w, batch_body, 0)
        pltpu.sync_copy(pooled_v, out_hbm.at[pl.ds(wid * b_per_w, b_per_w)])

    return pool


def _proj_body(w_ref, p_ref, b_ref, o_ref):
    dn = (((0,), (0,)), ((), ()))
    ones = jnp.ones((1, p_ref.shape[1]), jnp.float32)
    b_row = b_ref[...].reshape(1, b_ref.shape[0])
    o_ref[...] = jax.lax.dot_general(
        w_ref[...], p_ref[...], dn, preferred_element_type=jnp.float32
    ) + jax.lax.dot_general(
        b_row, ones, dn, preferred_element_type=jnp.float32
    )


@functools.lru_cache(maxsize=None)
def _make_proj_kernel(B, K, V, BN):
    grid = pl.cdiv(V, BN)
    return pl.pallas_call(
        _proj_body,
        grid=(grid,),
        in_specs=[
            pl.BlockSpec((K, BN), lambda i: (0, i)),
            pl.BlockSpec((K, B), lambda i: (0, 0)),
            pl.BlockSpec((BN,), lambda i: (i,)),
        ],
        out_specs=pl.BlockSpec((BN, B), lambda i: (i, 0)),
        out_shape=jax.ShapeDtypeStruct((V, B), jnp.float32),
    )


def kernel(context, emb_table, W, b):
    B, CTX = context.shape
    V, D = emb_table.shape
    NC, NS = 2, 16
    idx_flat = jnp.clip(
        lax.optimization_barrier(context.reshape(-1)), 0, V - 1
    )
    pooled = _make_pool_kernel(B, CTX, D, NC, NS)(idx_flat, emb_table)
    out_t = _make_proj_kernel(B, D, V, 3072)(W, pooled.T, b)
    return out_t.T

# --- scband reference (transcript-rebuilt; emitter-appended) ---
"""Pipeline reference for scband-cbowmodel-5626407158326 (READ-ONLY COPY).

The authoritative reference and input builder live on the scoring server;
editing this copy changes nothing except your own understanding.
"""

import jax, jax.numpy as jnp
import numpy as np

VOCAB = 100000
EMBED = 32
BATCH = 1024
CTX = 20

def setup_inputs(seed: int = 0) -> dict:
    key = jax.random.key(seed)
    k1, k2, k3, k4 = jax.random.split(key, 4)
    context = jax.random.randint(k1, (BATCH, CTX), 0, VOCAB, dtype=jnp.int64 if jax.config.jax_enable_x64 else jnp.int32).astype(jnp.int32)
    emb_table = jax.random.normal(k2, (VOCAB, EMBED), dtype=jnp.float32)
    W = jax.random.normal(k3, (EMBED, VOCAB), dtype=jnp.float32) * (1.0 / np.sqrt(EMBED))
    b = jax.random.normal(k4, (VOCAB,), dtype=jnp.float32) * 0.01
    return {"context": context, "emb_table": emb_table, "W": W, "b": b}

def reference(context, emb_table, W, b):
    # embeds = mean(embedding(context), dim=1)
    embeds = jnp.take(emb_table, context, axis=0)  # [B, CTX, EMBED] gather
    pooled = jnp.mean(embeds, axis=1)              # [B, EMBED]
    # out = linear1(pooled)
    out = pooled @ W + b                           # [B, VOCAB]
    return out

if __name__ == "__main__":
    import jax
    _d = setup_inputs()
    print(jax.jit(kernel)(*tuple(_d.values())))

</pallas_src>

<mosaic_0001>
#map = affine_map<(d0, d1) -> (0)>
#map1 = affine_map<(d0, d1) -> (0, 0)>
module attributes {stable_mosaic.version = 14 : i64} {
  func.func @pool(%arg0: i32, %arg1: i32, %arg2: memref<20480xi32, #tpu.memory_space<hbm>>, %arg3: memref<100000x32xf32, #tpu.memory_space<hbm>>, %arg4: memref<1024x32xf32, #tpu.memory_space<hbm>>, %arg5: memref<640xi32, #tpu.memory_space<vmem>>, %arg6: memref<640x32xf32, #tpu.memory_space<vmem>>, %arg7: memref<32x32xf32, #tpu.memory_space<vmem>>, %arg8: memref<!tpu.dma_semaphore, #tpu.memory_space<semaphore_mem>>) attributes {dimension_semantics = [#tpu.dimension_semantics<core_parallel>, #tpu.dimension_semantics<subcore_parallel>], iteration_bounds = array<i64: 2, 16>, scalar_prefetch = 0 : i64, scratch_operands = 4 : i64, tpu.core_type = #tpu.core_type<sc_vector_subcore>, window_params = [{transform_indices = #map}, {transform_indices = #map1}, {transform_indices = #map1}]} {
    %mul3A = arith.constant 2 : i32
    %mul3A_0 = arith.muli %arg1, %mul3A : i32
    %add3A = arith.addi %mul3A_0, %arg0 : i32
    %mul3A_1 = arith.constant 640 : i32
    %mul3A_2 = arith.muli %add3A, %mul3A_1 : i32
    "tpu.region"() ({
      %run_scoped3A = tpu.sem_alloc : memref<!tpu.dma_semaphore, #tpu.memory_space<semaphore_mem>>
      %dma_start3A_88 = tpu.memref_slice %arg2[%mul3A_2] : memref<20480xi32, #tpu.memory_space<hbm>> -> memref<640xi32, #tpu.memory_space<hbm>>
      %dma_start3A_89 = tpu.memref_slice %arg2[%mul3A_2] : memref<20480xi32, #tpu.memory_space<hbm>> -> memref<640xi32, #tpu.memory_space<hbm>>
      tpu.enqueue_dma source(%dma_start3A_89 : memref<640xi32, #tpu.memory_space<hbm>>) target(%arg5 : memref<640xi32, #tpu.memory_space<vmem>>) target_semaphore(%run_scoped3A : memref<!tpu.dma_semaphore, #tpu.memory_space<semaphore_mem>>)
      %dma_wait3A_90 = tpu.memref_slice %arg2[%mul3A_2] : memref<20480xi32, #tpu.memory_space<hbm>> -> memref<640xi32, #tpu.memory_space<hbm>>
      %dma_wait3A_91 = tpu.memref_slice %arg2[%mul3A_2] : memref<20480xi32, #tpu.memory_space<hbm>> -> memref<640xi32, #tpu.memory_space<hbm>>
      tpu.wait_dma2 semaphore(%run_scoped3A : memref<!tpu.dma_semaphore, #tpu.memory_space<semaphore_mem>>) src(%dma_wait3A_91 : memref<640xi32, #tpu.memory_space<hbm>>) dst(%arg5 : memref<640xi32, #tpu.memory_space<vmem>>)
      tpu.yield
    }) : () -> ()
    %dma_start3A = arith.constant 0 : i32
    %dma_start3A_3 = arith.constant 0 : i32
    %dma_start3A_4 = tpu.memref_slice %arg6[%dma_start3A, %dma_start3A_3] : memref<640x32xf32, #tpu.memory_space<vmem>> -> memref<128x32xf32, #tpu.memory_space<vmem>>
    %dma_start3A_5 = arith.constant 0 : i32
    %dma_start3A_6 = tpu.memref_slice %arg5[%dma_start3A_5] : memref<640xi32, #tpu.memory_space<vmem>> -> memref<128xi32, #tpu.memory_space<vmem>>
    %dma_start3A_7 = arith.constant 0 : i32
    %dma_start3A_8 = arith.constant 0 : i32
    %dma_start3A_9 = tpu.memref_slice %arg3[%dma_start3A_7, %dma_start3A_8] : memref<100000x32xf32, #tpu.memory_space<hbm>> -> memref<100000x32xf32, #tpu.memory_space<hbm>>
    tpu.enqueue_indirect_dma source(%dma_start3A_9 : memref<100000x32xf32, #tpu.memory_space<hbm>>) target(%dma_start3A_4 : memref<128x32xf32, #tpu.memory_space<vmem>>) offsets(%dma_start3A_6 : memref<128xi32, #tpu.memory_space<vmem>>) semaphore(%arg8 : memref<!tpu.dma_semaphore, #tpu.memory_space<semaphore_mem>>)
    %dma_start3A_10 = arith.constant 128 : i32
    %dma_start3A_11 = arith.constant 0 : i32
    %dma_start3A_12 = tpu.memref_slice %arg6[%dma_start3A_10, %dma_start3A_11] : memref<640x32xf32, #tpu.memory_space<vmem>> -> memref<128x32xf32, #tpu.memory_space<vmem>>
    %dma_start3A_13 = arith.constant 128 : i32
    %dma_start3A_14 = tpu.memref_slice %arg5[%dma_start3A_13] : memref<640xi32, #tpu.memory_space<vmem>> -> memref<128xi32, #tpu.memory_space<vmem>>
    %dma_start3A_15 = arith.constant 0 : i32
    %dma_start3A_16 = arith.constant 0 : i32
    %dma_start3A_17 = tpu.memref_slice %arg3[%dma_start3A_15, %dma_start3A_16] : memref<100000x32xf32, #tpu.memory_space<hbm>> -> memref<100000x32xf32, #tpu.memory_space<hbm>>
    tpu.enqueue_indirect_dma source(%dma_start3A_17 : memref<100000x32xf32, #tpu.memory_space<hbm>>) target(%dma_start3A_12 : memref<128x32xf32, #tpu.memory_space<vmem>>) offsets(%dma_start3A_14 : memref<128xi32, #tpu.memory_space<vmem>>) semaphore(%arg8 : memref<!tpu.dma_semaphore, #tpu.memory_space<semaphore_mem>>)
    %dma_start3A_18 = arith.constant 256 : i32
    %dma_start3A_19 = arith.constant 0 : i32
    %dma_start3A_20 = tpu.memref_slice %arg6[%dma_start3A_18, %dma_start3A_19] : memref<640x32xf32, #tpu.memory_space<vmem>> -> memref<128x32xf32, #tpu.memory_space<vmem>>
    %dma_start3A_21 = arith.constant 256 : i32
    %dma_start3A_22 = tpu.memref_slice %arg5[%dma_start3A_21] : memref<640xi32, #tpu.memory_space<vmem>> -> memref<128xi32, #tpu.memory_space<vmem>>
    %dma_start3A_23 = arith.constant 0 : i32
    %dma_start3A_24 = arith.constant 0 : i32
    %dma_start3A_25 = tpu.memref_slice %arg3[%dma_start3A_23, %dma_start3A_24] : memref<100000x32xf32, #tpu.memory_space<hbm>> -> memref<100000x32xf32, #tpu.memory_space<hbm>>
    tpu.enqueue_indirect_dma source(%dma_start3A_25 : memref<100000x32xf32, #tpu.memory_space<hbm>>) target(%dma_start3A_20 : memref<128x32xf32, #tpu.memory_space<vmem>>) offsets(%dma_start3A_22 : memref<128xi32, #tpu.memory_space<vmem>>) semaphore(%arg8 : memref<!tpu.dma_semaphore, #tpu.memory_space<semaphore_mem>>)
    %dma_start3A_26 = arith.constant 384 : i32
    %dma_start3A_27 = arith.constant 0 : i32
    %dma_start3A_28 = tpu.memref_slice %arg6[%dma_start3A_26, %dma_start3A_27] : memref<640x32xf32, #tpu.memory_space<vmem>> -> memref<128x32xf32, #tpu.memory_space<vmem>>
    %dma_start3A_29 = arith.constant 384 : i32
    %dma_start3A_30 = tpu.memref_slice %arg5[%dma_start3A_29] : memref<640xi32, #tpu.memory_space<vmem>> -> memref<128xi32, #tpu.memory_space<vmem>>
    %dma_start3A_31 = arith.constant 0 : i32
    %dma_start3A_32 = arith.constant 0 : i32
    %dma_start3A_33 = tpu.memref_slice %arg3[%dma_start3A_31, %dma_start3A_32] : memref<100000x32xf32, #tpu.memory_space<hbm>> -> memref<100000x32xf32, #tpu.memory_space<hbm>>
    tpu.enqueue_indirect_dma source(%dma_start3A_33 : memref<100000x32xf32, #tpu.memory_space<hbm>>) target(%dma_start3A_28 : memref<128x32xf32, #tpu.memory_space<vmem>>) offsets(%dma_start3A_30 : memref<128xi32, #tpu.memory_space<vmem>>) semaphore(%arg8 : memref<!tpu.dma_semaphore, #tpu.memory_space<semaphore_mem>>)
    %dma_start3A_34 = arith.constant 512 : i32
    %dma_start3A_35 = arith.constant 0 : i32
    %dma_start3A_36 = tpu.memref_slice %arg6[%dma_start3A_34, %dma_start3A_35] : memref<640x32xf32, #tpu.memory_space<vmem>> -> memref<128x32xf32, #tpu.memory_space<vmem>>
    %dma_start3A_37 = arith.constant 512 : i32
    %dma_start3A_38 = tpu.memref_slice %arg5[%dma_start3A_37] : memref<640xi32, #tpu.memory_space<vmem>> -> memref<128xi32, #tpu.memory_space<vmem>>
    %dma_start3A_39 = arith.constant 0 : i32
    %dma_start3A_40 = arith.constant 0 : i32
    %dma_start3A_41 = tpu.memref_slice %arg3[%dma_start3A_39, %dma_start3A_40] : memref<100000x32xf32, #tpu.memory_space<hbm>> -> memref<100000x32xf32, #tpu.memory_space<hbm>>
    tpu.enqueue_indirect_dma source(%dma_start3A_41 : memref<100000x32xf32, #tpu.memory_space<hbm>>) target(%dma_start3A_36 : memref<128x32xf32, #tpu.memory_space<vmem>>) offsets(%dma_start3A_38 : memref<128xi32, #tpu.memory_space<vmem>>) semaphore(%arg8 : memref<!tpu.dma_semaphore, #tpu.memory_space<semaphore_mem>>)
    %dma_wait3A = arith.constant 0 : i32
    %dma_wait3A_42 = arith.constant 0 : i32
    %dma_wait3A_43 = tpu.memref_slice %arg6[%dma_wait3A, %dma_wait3A_42] : memref<640x32xf32, #tpu.memory_space<vmem>> -> memref<128x32xf32, #tpu.memory_space<vmem>>
    %dma_wait3A_44 = arith.constant 0 : i32
    %dma_wait3A_45 = tpu.memref_slice %arg5[%dma_wait3A_44] : memref<640xi32, #tpu.memory_space<vmem>> -> memref<128xi32, #tpu.memory_space<vmem>>
    %dma_wait3A_46 = arith.constant 0 : i32
    %dma_wait3A_47 = arith.constant 0 : i32
    %dma_wait3A_48 = tpu.memref_slice %arg3[%dma_wait3A_46, %dma_wait3A_47] : memref<100000x32xf32, #tpu.memory_space<hbm>> -> memref<100000x32xf32, #tpu.memory_space<hbm>>
    tpu.wait_indirect_dma semaphore(%arg8 : memref<!tpu.dma_semaphore, #tpu.memory_space<semaphore_mem>>) src(%dma_wait3A_48 : memref<100000x32xf32, #tpu.memory_space<hbm>>) dst(%dma_wait3A_43 : memref<128x32xf32, #tpu.memory_space<vmem>>)
    %dma_wait3A_49 = arith.constant 128 : i32
    %dma_wait3A_50 = arith.constant 0 : i32
    %dma_wait3A_51 = tpu.memref_slice %arg6[%dma_wait3A_49, %dma_wait3A_50] : memref<640x32xf32, #tpu.memory_space<vmem>> -> memref<128x32xf32, #tpu.memory_space<vmem>>
    %dma_wait3A_52 = arith.constant 128 : i32
    %dma_wait3A_53 = tpu.memref_slice %arg5[%dma_wait3A_52] : memref<640xi32, #tpu.memory_space<vmem>> -> memref<128xi32, #tpu.memory_space<vmem>>
    %dma_wait3A_54 = arith.constant 0 : i32
    %dma_wait3A_55 = arith.constant 0 : i32
    %dma_wait3A_56 = tpu.memref_slice %arg3[%dma_wait3A_54, %dma_wait3A_55] : memref<100000x32xf32, #tpu.memory_space<hbm>> -> memref<100000x32xf32, #tpu.memory_space<hbm>>
    tpu.wait_indirect_dma semaphore(%arg8 : memref<!tpu.dma_semaphore, #tpu.memory_space<semaphore_mem>>) src(%dma_wait3A_56 : memref<100000x32xf32, #tpu.memory_space<hbm>>) dst(%dma_wait3A_51 : memref<128x32xf32, #tpu.memory_space<vmem>>)
    %dma_wait3A_57 = arith.constant 256 : i32
    %dma_wait3A_58 = arith.constant 0 : i32
    %dma_wait3A_59 = tpu.memref_slice %arg6[%dma_wait3A_57, %dma_wait3A_58] : memref<640x32xf32, #tpu.memory_space<vmem>> -> memref<128x32xf32, #tpu.memory_space<vmem>>
    %dma_wait3A_60 = arith.constant 256 : i32
    %dma_wait3A_61 = tpu.memref_slice %arg5[%dma_wait3A_60] : memref<640xi32, #tpu.memory_space<vmem>> -> memref<128xi32, #tpu.memory_space<vmem>>
    %dma_wait3A_62 = arith.constant 0 : i32
    %dma_wait3A_63 = arith.constant 0 : i32
    %dma_wait3A_64 = tpu.memref_slice %arg3[%dma_wait3A_62, %dma_wait3A_63] : memref<100000x32xf32, #tpu.memory_space<hbm>> -> memref<100000x32xf32, #tpu.memory_space<hbm>>
    tpu.wait_indirect_dma semaphore(%arg8 : memref<!tpu.dma_semaphore, #tpu.memory_space<semaphore_mem>>) src(%dma_wait3A_64 : memref<100000x32xf32, #tpu.memory_space<hbm>>) dst(%dma_wait3A_59 : memref<128x32xf32, #tpu.memory_space<vmem>>)
    %dma_wait3A_65 = arith.constant 384 : i32
    %dma_wait3A_66 = arith.constant 0 : i32
    %dma_wait3A_67 = tpu.memref_slice %arg6[%dma_wait3A_65, %dma_wait3A_66] : memref<640x32xf32, #tpu.memory_space<vmem>> -> memref<128x32xf32, #tpu.memory_space<vmem>>
    %dma_wait3A_68 = arith.constant 384 : i32
    %dma_wait3A_69 = tpu.memref_slice %arg5[%dma_wait3A_68] : memref<640xi32, #tpu.memory_space<vmem>> -> memref<128xi32, #tpu.memory_space<vmem>>
    %dma_wait3A_70 = arith.constant 0 : i32
    %dma_wait3A_71 = arith.constant 0 : i32
    %dma_wait3A_72 = tpu.memref_slice %arg3[%dma_wait3A_70, %dma_wait3A_71] : memref<100000x32xf32, #tpu.memory_space<hbm>> -> memref<100000x32xf32, #tpu.memory_space<hbm>>
    tpu.wait_indirect_dma semaphore(%arg8 : memref<!tpu.dma_semaphore, #tpu.memory_space<semaphore_mem>>) src(%dma_wait3A_72 : memref<100000x32xf32, #tpu.memory_space<hbm>>) dst(%dma_wait3A_67 : memref<128x32xf32, #tpu.memory_space<vmem>>)
    %dma_wait3A_73 = arith.constant 512 : i32
    %dma_wait3A_74 = arith.constant 0 : i32
    %dma_wait3A_75 = tpu.memref_slice %arg6[%dma_wait3A_73, %dma_wait3A_74] : memref<640x32xf32, #tpu.memory_space<vmem>> -> memref<128x32xf32, #tpu.memory_space<vmem>>
    %dma_wait3A_76 = arith.constant 512 : i32
    %dma_wait3A_77 = tpu.memref_slice %arg5[%dma_wait3A_76] : memref<640xi32, #tpu.memory_space<vmem>> -> memref<128xi32, #tpu.memory_space<vmem>>
    %dma_wait3A_78 = arith.constant 0 : i32
    %dma_wait3A_79 = arith.constant 0 : i32
    %dma_wait3A_80 = tpu.memref_slice %arg3[%dma_wait3A_78, %dma_wait3A_79] : memref<100000x32xf32, #tpu.memory_space<hbm>> -> memref<100000x32xf32, #tpu.memory_space<hbm>>
    tpu.wait_indirect_dma semaphore(%arg8 : memref<!tpu.dma_semaphore, #tpu.memory_space<semaphore_mem>>) src(%dma_wait3A_80 : memref<100000x32xf32, #tpu.memory_space<hbm>>) dst(%dma_wait3A_75 : memref<128x32xf32, #tpu.memory_space<vmem>>)
    %scan3A = arith.constant 0 : i32
    %scan3A_81 = arith.constant 0 : i32
    %scan3A_82 = arith.constant 32 : i32
    %scan3A_83 = arith.addi %scan3A_81, %scan3A_82 : i32
    %scan3A_84 = arith.constant 1 : i32
    scf.for %scan3A_88 = %scan3A_81 to %scan3A_83 step %scan3A_84  : i32 {
      %mul3A_89 = arith.constant 20 : i32
      %mul3A_90 = arith.muli %scan3A_88, %mul3A_89 : i32
      %broadcast_in_dim3A = arith.constant 0.000000e+00 : f32
      %broadcast_in_dim3A_91 = vector.broadcast %broadcast_in_dim3A : f32 to vector<16xf32>
      %scan3A_92 = arith.constant 0 : i32
      %scan3A_93 = arith.constant 20 : i32
      %scan3A_94 = arith.addi %scan3A_92, %scan3A_93 : i32
      %scan3A_95 = arith.constant 1 : i32
      %scan3A_96:2 = scf.for %scan3A_113 = %scan3A_92 to %scan3A_94 step %scan3A_95 iter_args(%scan3A_114 = %broadcast_in_dim3A_91, %scan3A_115 = %broadcast_in_dim3A_91) -> (vector<16xf32>, vector<16xf32>)  : i32 {
        %add3A_116 = arith.addi %mul3A_90, %scan3A_113 : i32
        %get3A = arith.index_cast %add3A_116 : i32 to index
        %get3A_117 = arith.constant 0 : index
        %get3A_118 = tpu.vector_load %arg6[%get3A, %get3A_117] {strides = array<i32>} : memref<640x32xf32, #tpu.memory_space<vmem>>, vector<1x16xf32>,
        %get3A_119 = vector.shape_cast %get3A_118 : vector<1x16xf32> to vector<16xf32>
        %add3A_120 = arith.addf %scan3A_114, %get3A_119 : vector<16xf32>
        %get3A_121 = arith.index_cast %add3A_116 : i32 to index
        %get3A_122 = arith.constant 16 : index
        %get3A_123 = tpu.vector_load %arg6[%get3A_121, %get3A_122] {strides = array<i32>} : memref<640x32xf32, #tpu.memory_space<vmem>>, vector<1x16xf32>,
        %get3A_124 = vector.shape_cast %get3A_123 : vector<1x16xf32> to vector<16xf32>
        %add3A_125 = arith.addf %scan3A_115, %get3A_124 : vector<16xf32>
        scf.yield %add3A_120, %add3A_125 : vector<16xf32>, vector<16xf32>
      }
      %scan3A_97 = arith.constant 20 : i32
      %mul3A_98 = arith.constant 5.000000e-02 : f32
      %mul3A_99 = vector.broadcast %mul3A_98 : f32 to vector<16xf32>
      %mul3A_100 = arith.mulf %scan3A_96#0, %mul3A_99 : vector<16xf32>
      %swap3A = arith.index_cast %scan3A_88 : i32 to index
      %swap3A_101 = arith.constant 0 : index
      %swap3A_102 = tpu.vector_load %arg7[%swap3A, %swap3A_101] {strides = array<i32>} : memref<32x32xf32, #tpu.memory_space<vmem>>, vector<1x16xf32>,
      %swap3A_103 = vector.shape_cast %swap3A_102 : vector<1x16xf32> to vector<16xf32>
      %swap3A_104 = vector.shape_cast %mul3A_100 : vector<16xf32> to vector<1x16xf32>
      tpu.vector_store %arg7[%swap3A, %swap3A_101], %swap3A_104 {strides = array<i32>} : memref<32x32xf32, #tpu.memory_space<vmem>>, vector<1x16xf32>,
      %mul3A_105 = arith.constant 5.000000e-02 : f32
      %mul3A_106 = vector.broadcast %mul3A_105 : f32 to vector<16xf32>
      %mul3A_107 = arith.mulf %scan3A_96#1, %mul3A_106 : vector<16xf32>
      %swap3A_108 = arith.index_cast %scan3A_88 : i32 to index
      %swap3A_109 = arith.constant 16 : index
      %swap3A_110 = tpu.vector_load %arg7[%swap3A_108, %swap3A_109] {strides = array<i32>} : memref<32x32xf32, #tpu.memory_space<vmem>>, vector<1x16xf32>,
      %swap3A_111 = vector.shape_cast %swap3A_110 : vector<1x16xf32> to vector<16xf32>
      %swap3A_112 = vector.shape_cast %mul3A_107 : vector<16xf32> to vector<1x16xf32>
      tpu.vector_store %arg7[%swap3A_108, %swap3A_109], %swap3A_112 {strides = array<i32>} : memref<32x32xf32, #tpu.memory_space<vmem>>, vector<1x16xf32>,
    }
    %scan3A_85 = arith.constant 32 : i32
    %mul3A_86 = arith.constant 32 : i32
    %mul3A_87 = arith.muli %add3A, %mul3A_86 : i32
    "tpu.region"() ({
      %run_scoped3A = tpu.sem_alloc : memref<!tpu.dma_semaphore, #tpu.memory_space<semaphore_mem>>
      %dma_start3A_88 = arith.constant 0 : i32
      %dma_start3A_89 = tpu.memref_slice %arg4[%mul3A_87, %dma_start3A_88] : memref<1024x32xf32, #tpu.memory_space<hbm>> -> memref<32x32xf32, #tpu.memory_space<hbm>>
      %dma_start3A_90 = arith.constant 0 : i32
      %dma_start3A_91 = tpu.memref_slice %arg4[%mul3A_87, %dma_start3A_90] : memref<1024x32xf32, #tpu.memory_space<hbm>> -> memref<32x32xf32, #tpu.memory_space<hbm>>
      tpu.enqueue_dma source(%arg7 : memref<32x32xf32, #tpu.memory_space<vmem>>) target(%dma_start3A_91 : memref<32x32xf32, #tpu.memory_space<hbm>>) target_semaphore(%run_scoped3A : memref<!tpu.dma_semaphore, #tpu.memory_space<semaphore_mem>>)
      %dma_wait3A_92 = arith.constant 0 : i32
      %dma_wait3A_93 = tpu.memref_slice %arg4[%mul3A_87, %dma_wait3A_92] : memref<1024x32xf32, #tpu.memory_space<hbm>> -> memref<32x32xf32, #tpu.memory_space<hbm>>
      %dma_wait3A_94 = arith.constant 0 : i32
      %dma_wait3A_95 = tpu.memref_slice %arg4[%mul3A_87, %dma_wait3A_94] : memref<1024x32xf32, #tpu.memory_space<hbm>> -> memref<32x32xf32, #tpu.memory_space<hbm>>
      tpu.wait_dma2 semaphore(%run_scoped3A : memref<!tpu.dma_semaphore, #tpu.memory_space<semaphore_mem>>) src(%arg7 : memref<32x32xf32, #tpu.memory_space<vmem>>) dst(%dma_wait3A_95 : memref<32x32xf32, #tpu.memory_space<hbm>>)
      tpu.yield
    }) : () -> ()
    return
  }
}

module attributes {stable_mosaic.version = 14 : i64} {
  func.func @_proj_body(%arg0: i32, %arg1: memref<32x3072xf32, #tpu.memory_space<vmem>>, %arg2: memref<32x1024xf32, #tpu.memory_space<vmem>>, %arg3: memref<3072xf32, #tpu.memory_space<vmem>>, %arg4: memref<3072x1024xf32, #tpu.memory_space<vmem>>) attributes {dimension_semantics = [#tpu.dimension_semantics<arbitrary>], iteration_bounds = array<i64: 33>, scalar_prefetch = 0 : i64, scratch_operands = 0 : i64, tpu.core_type = #tpu.core_type<tc>, window_params = [{transform_indices = @transform_0, window_bounds = array<i64: 32, 3072>}, {pipeline_mode = #tpu.pipeline_mode<synchronous>, transform_indices = @transform_1, window_bounds = array<i64: 32, 1024>}, {transform_indices = @transform_2, window_bounds = array<i64: 3072>}, {transform_indices = @transform_3, window_bounds = array<i64: 3072, 1024>}]} {
    %broadcast_in_dim3A = arith.constant 1.000000e+00 : f32
    %broadcast_in_dim3A_0 = vector.broadcast %broadcast_in_dim3A : f32 to vector<1x1024xf32>
    %get3A = arith.constant 0 : index
    %get3A_1 = vector.load %arg3[%get3A] : memref<3072xf32, #tpu.memory_space<vmem>>, vector<3072xf32>
    %reshape3A = vector.shape_cast %get3A_1 : vector<3072xf32> to vector<1x3072xf32>
    %get3A_2 = arith.constant 0 : index
    %get3A_3 = arith.constant 0 : index
    %get3A_4 = vector.load %arg1[%get3A_2, %get3A_3] : memref<32x3072xf32, #tpu.memory_space<vmem>>, vector<32x3072xf32>
    %get3A_5 = arith.constant 0 : index
    %get3A_6 = arith.constant 0 : index
    %get3A_7 = vector.load %arg2[%get3A_5, %get3A_6] : memref<32x1024xf32, #tpu.memory_space<vmem>>, vector<32x1024xf32>
    %dot_general3A = arith.constant dense<0.000000e+00> : vector<3072x1024xf32>
    %dot_general3A_8 = tpu.matmul %get3A_4, %get3A_7, %dot_general3A {dimension_numbers = #tpu.dot_dimension_numbers<[0], [0], [1], [1], [0, 1, 1, 1], [], []>, transpose_lhs_hint = false} : vector<32x3072xf32>, vector<32x1024xf32>, vector<3072x1024xf32> -> vector<3072x1024xf32>
    %dot_general3A_9 = arith.constant dense<0.000000e+00> : vector<3072x1024xf32>
    %dot_general3A_10 = tpu.matmul %reshape3A, %broadcast_in_dim3A_0, %dot_general3A_9 {dimension_numbers = #tpu.dot_dimension_numbers<[0], [0], [1], [1], [0, 1, 1, 1], [], []>, transpose_lhs_hint = false} : vector<1x3072xf32>, vector<1x1024xf32>, vector<3072x1024xf32> -> vector<3072x1024xf32>
    %add3A = arith.addf %dot_general3A_8, %dot_general3A_10 : vector<3072x1024xf32>
    %swap3A = arith.constant 0 : index
    %swap3A_11 = arith.constant 0 : index
    %swap3A_12 = vector.load %arg4[%swap3A, %swap3A_11] : memref<3072x1024xf32, #tpu.memory_space<vmem>>, vector<3072x1024xf32>
    tpu.vector_store %arg4[%swap3A, %swap3A_11], %add3A {strides = array<i32>} : memref<3072x1024xf32, #tpu.memory_space<vmem>>, vector<3072x1024xf32>,
    return
  }
  func.func @transform_0(%arg0: i32) -> (i32, i32) {
    %c0_i32 = arith.constant 0 : i32
    %c0_i32_0 = arith.constant 0 : i32
    return %c0_i32, %arg0 : i32, i32
  }
  func.func @transform_1(%arg0: i32) -> (i32, i32) {
    %c0_i32 = arith.constant 0 : i32
    %c0_i32_0 = arith.constant 0 : i32
    %c0_i32_1 = arith.constant 0 : i32
    return %c0_i32, %c0_i32_0 : i32, i32
  }
  func.func @transform_2(%arg0: i32) -> i32 {
    %c0_i32 = arith.constant 0 : i32
    return %arg0 : i32
  }
  func.func @transform_3(%arg0: i32) -> (i32, i32) {
    %c0_i32 = arith.constant 0 : i32
    %c0_i32_0 = arith.constant 0 : i32
    return %arg0, %c0_i32 : i32, i32
  }
}

</mosaic_0001>

<sc_bundles>
// kernel: kernel.4.cloned.1.call-start
scs
__scs_entry_jumppad:
0x0: {  	(pc) =	sbr.rel $0x88, $3  }
0x1: {  	(tag) =	ssettag $0x0;
	lr =	simm.s32 $0x1  }
0x2: {  	[smem:$0x3F9D] =	sst lr;
	_ =	strace $0xD0000000  }
0x3: {  	_ = 	snop  }
0x4: {  	_ = 	snop  }
0x5: {  	_ = 	snop  }
0x6: {  	_ = 	snop  }
0x7: {  	_ = 	snop  }
__scs_overlays_trampoline_lowered:
0x8: {  	[smem:$0x3FAC] =	sst s0  }
0x9: {  	[smem:$0x3FAD] =	sst s1  }
0xa: {  	[smem:$0x3FAE] =	sst s2  }
0xb: {  	[smem:$0x3FAF] =	sst s3  }
0xc: {  	[smem:$0x3FB0] =	sst s4  }
0xd: {  	[smem:$0x3FB1] =	sst s5  }
0xe: {  	[smem:$0x3FB2] =	sst s6  }
0xf: {  	[smem:$0x3FB3] =	sst s7  }
0x10: {  	[smem:$0x3FB4] =	sst s8  }
0x11: {  	[smem:$0x3FB5] =	sst s9;
	s0 =	simm.s32 @!p0 $0x0  }
0x12: {  	s1 =	sld [smem:$0x3F9B];
	s0 =	simm.s32 @p0 $0x1  }
0x13: {  	[smem:$0x3FB6] =	sst s0;
	s0 =	simm.s32 @!p1 $0x0  }
0x14: {  	s2 =	sld [smem:$0x3F9A];
	s0 =	simm.s32 @p1 $0x1  }
0x15: {  	[smem:$0x3FB7] =	sst s0;
	s0 =	simm.s32 @!p2 $0x0  }
0x16: {  	s3 =	sld [smem:$0x3FDB];
	s0 =	simm.s32 @p2 $0x1  }
0x17: {  	s4 =	simm.s32 $0x1BF5;
	[smem:$0x3FB9] =	sst s0  }
0x18: {  	s0 =	sld [smem:$0x3F9C];
	_ =	swait.ge [sflag:s4], $0x0  }
0x19: {  	s7 =	sld [smem:$0x3F9D]  }
0x1a: {  	s8 =	sadd.s32 $0xFFFFE003, lr  }
0x1b: {  	s9 =	sadd.s32 $0xFFFFFEF7, lr;
	s5 =	simm.s32 $0xFFFFFFFF;
	p2 =	slt.u32 s8, $0xFFFFF086  }
0x1c: {  	p1 =	slt.u32 s9, $0xF7A;
	s5 =	simm.s32 @!p2 $0x0  }
0x1d: {  	s5 =	simm.s32 @p1 $0x1;
	p0 =	seq.s32 s7, s2  }
0x1e: {  	s7 =	smul.u32 @!p0 $0xF7A, s2;
	p2 =	seq.s32 @!p0 s5, $0x0  }
0x1f: {  	s9 =	smul.u32 $0xF7A, s1;
	s8 =	simm.s32 @!p0 $0x1BF5;
	p2 =	por !p2, p0  }
0x20: {  	[sflag:s8] =	ssyncset.s32 @!p0 $0xFFFFF086;
	s6 =	sadd.s32 @!p0 s3, s7;
	s7 =	simm.s32 @!p0 $0x108  }
0x21: {  	s3 =	sadd.s32 s3, s9;
	s6 =	sadd.s32 @!p0 $0x88, s6;
	s7 =	simm.s32 @p2 $0x1082  }
0x22: {  	[simem:s7], [sflag:s8] =	dma.local @!p0 [hbm:s6], $0xF7A  }
0x23: {  	s9 =	sor.u32 $0xD0000000, s2;
	s6 =	simm.s32 $0x108;
	_ =	swait.ge @!p0 [sflag:s8], $0x0  }
0x24: {  	s3 =	sadd.s32 $0x88, s3;
	s6 =	simm.s32 @!p1 $0x1082;
	[sflag:s4] =	ssyncset.s32 $0xFFFFF086  }
0x25: {  	[simem:s6], [sflag:s4] =	dma.local [hbm:s3], $0xF7A  }
0x26: {  	[smem:$0x3F9D] =	sst s1;
	(tag) =	ssettag s2;
	_ =	strace s9  }
0x27: {  	s1 =	sld [smem:$0x3FAD]  }
0x28: {  	s2 =	sld [smem:$0x3FAE]  }
0x29: {  	s4 =	sld [smem:$0x3FB0]  }
0x2a: {  	p0 =	seq.s32 s5, $0x0;
	s5 =	sld [smem:$0x3FB1]  }
0x2b: {  	s6 =	sld [smem:$0x3FB2]  }
0x2c: {  	s7 =	sld [smem:$0x3FB3]  }
0x2d: {  	s3 =	simm.s32 $0x108;
	s8 =	sld [smem:$0x3FB4]  }
0x2e: {  	s3 =	simm.s32 @!p0 $0x1082;
	s9 =	sld [smem:$0x3FB5]  }
0x2f: {  	lr =	sadd.s32 s0, s3;
	s0 =	sld [smem:$0x3FAC]  }
0x30: {  	s3 =	sld [smem:$0x3FAF]  }
0x31: {  	[smem:$0x3FB8] =	sst s10  }
0x32: {  	s10 =	sld [smem:$0x3FB6];
	_ =	sdelay $0x3  }
0x33: {  	p0 =	seq.s32 s10, $0x1;
	s10 =	sld [smem:$0x3FB8];
	_ =	sdelay $0x3  }
0x34: {  	[smem:$0x3FB8] =	sst s10  }
0x35: {  	s10 =	sld [smem:$0x3FB7];
	_ =	sdelay $0x3  }
0x36: {  	p1 =	seq.s32 s10, $0x1;
	s10 =	sld [smem:$0x3FB8];
	_ =	sdelay $0x3  }
0x37: {  	[smem:$0x3FB8] =	sst s10  }
0x38: {  	s10 =	sld [smem:$0x3FB9]  }
0x39: {  	_ = 	snop;
	(pc) =	sbr.ind lr, $3  }
0x3a: {  	_ = 	snop  }
0x3b: {  	_ = 	snop  }
0x3c: {  	p2 =	seq.s32 s10, $0x1;
	s10 =	sld [smem:$0x3FB8]  }
0x3d: {  	_ =	shalt  }
0x3e: {  	_ =	shalt  }
0x3f: {  	_ =	shalt  }
0x40: {  	_ =	shalt  }
0x41: {  	_ =	shalt  }
0x42: {  	_ =	shalt  }
0x43: {  	_ =	shalt  }
0x44: {  	_ =	shalt  }
0x45: {  	_ =	shalt  }
0x46: {  	_ =	shalt  }
0x47: {  	_ =	shalt  }
0x48: {  	_ =	shalt  }
0x49: {  	_ =	shalt  }
0x4a: {  	_ =	shalt  }
0x4b: {  	_ =	shalt  }
0x4c: {  	_ =	shalt  }
0x4d: {  	_ =	shalt  }
0x4e: {  	_ =	shalt  }
0x4f: {  	_ =	shalt  }
0x50: {  	_ =	shalt  }
0x51: {  	_ =	shalt  }
0x52: {  	_ =	shalt  }
0x53: {  	_ =	shalt  }
0x54: {  	_ =	shalt  }
0x55: {  	_ =	shalt  }
0x56: {  	_ =	shalt  }
0x57: {  	_ =	shalt  }
0x58: {  	_ =	shalt  }
0x59: {  	_ =	shalt  }
0x5a: {  	_ =	shalt  }
0x5b: {  	_ =	shalt  }
0x5c: {  	_ =	shalt  }
0x5d: {  	_ =	shalt  }
0x5e: {  	_ =	shalt  }
0x5f: {  	_ =	shalt  }
0x60: {  	_ =	shalt  }
0x61: {  	_ =	shalt  }
0x62: {  	_ =	shalt  }
0x63: {  	_ =	shalt  }
0x64: {  	_ =	shalt  }
0x65: {  	_ =	shalt  }
0x66: {  	_ =	shalt  }
0x67: {  	_ =	shalt  }
0x68: {  	_ =	shalt  }
0x69: {  	_ =	shalt  }
0x6a: {  	_ =	shalt  }
0x6b: {  	_ =	shalt  }
0x6c: {  	_ =	shalt  }
0x6d: {  	_ =	shalt  }
0x6e: {  	_ =	shalt  }
0x6f: {  	_ =	shalt  }
0x70: {  	_ =	shalt  }
0x71: {  	_ =	shalt  }
0x72: {  	_ =	shalt  }
0x73: {  	_ =	shalt  }
0x74: {  	_ =	shalt  }
0x75: {  	_ =	shalt  }
0x76: {  	_ =	shalt  }
0x77: {  	_ =	shalt  }
0x78: {  	_ =	shalt  }
0x79: {  	_ =	shalt  }
0x7a: {  	_ =	shalt  }
0x7b: {  	_ =	shalt  }
0x7c: {  	_ =	shalt  }
0x7d: {  	_ =	shalt  }
0x7e: {  	_ =	shalt  }
0x7f: {  	_ =	shalt  }
0x80: {  	_ =	shalt  }
0x81: {  	_ =	shalt  }
0x82: {  	_ =	shalt  }
0x83: {  	_ =	shalt  }
0x84: {  	_ =	shalt  }
0x85: {  	_ =	shalt  }
0x86: {  	_ =	shalt  }
0x87: {  	_ =	shalt  }
.Lfunc_end0:
.L_simem_size_0:
called_computation_lowered:
.L_overlay_start_0:
0x88: {  	s2 =	sld [smem:$0x3FD9]  }
0x89: {  	s3 =	sld [smem:$0x3FFE];
	_ =	sdelay $0x1  }
0x8a: {  	s1 =	srdreg.scid  }
0x8b: {  	s0 =	sand.u32 $0x1, s1  }
0x8c: {  	s17 =	sshll.u32 s0, $0xA;
	s2 =	sadd.s32 s3, s2  }
0x8d: {  	s2 =	sadd.s32 s2, s17  }
0x8e: {  	[smem:$0x3FC4] =	sst s2  }
0x8f: {  	_ = 	snop  }
0x90: {  	s2 =	sld [smem:$0x3FD0];
	(tm) =	ssettm $0x1  }
0x91: {  	s18 =	sld [smem:$0x3FFB];
	_ =	sdelay $0x3  }
0x92: {  	_ =	strace s18  }
0x93: {  	s3 =	sld [smem:$0x3FFC];
	_ =	sdelay $0x3  }
0x94: {  	_ =	strace s3  }
0x95: {  	s3 =	sld [smem:$0x3FFD];
	_ =	sdelay $0x3  }
0x96: {  	_ =	strace s3  }
0x97: {  	_ =	strace $0x8FFFFFFF  }
0x98: {  	s19 =	sld [smem:$0x3FDB];
	_ =	sdelay $0x1  }
0x99: {  	s4 =	simm.s32 $_scs_section_size  }
0x9a: {  	s5 =	simm.s32 $_size__tile_overlayer_lowered;
	s6 =	simm.s32 $_tile_overlayer_lowered  }
0x9b: {  	s22 =	simm.s32 $0x1BFF;
	s21 =	sshll.u32 s6, $0x1;
	s3 =	sadd.s32 s4, s19  }
0x9c: {  	s7 =	simm.s32 $0x0;
	s20 =	sshll.u32 s5, $0x1;
	s5 =	sadd.s32 s21, s3  }
0x9d: {  	[timem:s7], [sflag:s22] =	dma.local [hbm:s5], s20  }
0x9e: {  	_ =	swait.ge [sflag:s22], s20  }
0x9f: {  	s4 =	ssub.s32 $0x0, s20;
	[sflag:s22] =	ssyncset.done $0x0  }
0xa0: {  	[sflag:s22] =	ssyncadd.s32 s4;
	_ =	sdelay $0x1  }
0xa1: {  	s23 =	simm.s32 $0x1B8B  }
0xa2: {  	_ =	swait.ge [sflag:s23], $0x1  }
0xa3: {  	[sflag:s23] =	ssyncset.done $0x0  }
0xa4: {  	s25 =	simm.s32 $0x1B8E;
	s24 =	sld [smem:$0x3FFE];
	[sflag:s23] =	ssyncadd.s32 $0xFFFFFFFF  }
0xa5: {  	s26 =	simm.s32 $execute0_lowered;
	[smem:$0x3FD2] =	sst s25  }
0xa6: {  	s5 =	sshll.u32 s26, $0x1;
	_ =	strace $0x80000046;
	[dreg:$0x1] =	wrdreg $0xFFFFFFFF  }
0xa7: {  	s28 =	simm.s32 $_size_execute0_lowered;
	s3 =	sadd.s32 s3, s5;
	[dreg:$0x0] =	wrdreg $0x0  }
0xa8: {  	s5 =	sshll.u32 s28, $0x1;
	[dreg:$0x2] =	wrdreg s3  }
0xa9: {  	[dreg:$0x3] =	wrdreg s5  }
0xaa: {  	[dreg:$0x4] =	wrdreg $0xC0  }
0xab: {  	_ =	task [dreg:s7], $0x5FFFF  }
0xac: {  	[dreg:$0x1] =	wrdreg $0xFFFFFFFF  }
0xad: {  	[dreg:$0x0] =	wrdreg $0x60  }
0xae: {  	[dreg:$0x2] =	wrdreg s24  }
0xaf: {  	[dreg:$0x3] =	wrdreg s2  }
0xb0: {  	[dreg:$0x4] =	wrdreg $0x9  }
0xb1: {  	_ =	task.clear_ibuf [dreg:s7], $0x5FFFF;
	_ =	strace $0x90000046  }
0xb2: {  	s29 =	simm.s32 $0x9;
	_ =	strace $0x80000048  }
0xb3: {  	_ =	swait.ge [sflag:s29], $0x1  }
0xb4: {  	[sflag:s29] =	ssyncadd.s32 $0xFFFFFFFF  }
0xb5: {  	_ =	strace $0x90000048  }
0xb6: {  	_ =	sfence  }
0xb7: {  	s30 =	sld [smem:$0x0];
	_ =	sdelay $0x2  }
0xb8: {  	s31 =	sshll.u32 s1, $0xD;
	s1 =	sshrl.u32 s1, $0x2  }
0xb9: {  	s3 =	sand.u32 $0x4000, s31;
	s1 =	sadd.s32 s1, s30  }
0xba: {  	s0 =	sor.u32 s3, s0;
	s1 =	sshll.u32 s1, $0x11  }
0xbb: {  	s0 =	sor.u32 s1, s0  }
0xbc: {  	s0 =	sadd.s32 $0x8F2B, s0  }
0xbd: {  	[sflag:s0] =	ssyncadd.remote.s32 $0x1  }
0xbe: {  	_ =	sfence.sel $0xFFFF  }
0xbf: {  	[dreg:$0x0] =	wrdreg $0xFFFFFFFF;
	(pc) =	sbr.abs _section_cstart, $3  }
0xc0: {  	[dreg:$0x1] =	wrdreg $0xFFFFFFFF  }
0xc1: {  	_ =	task.clear_ibuf [dreg:s7], $0x2FFFF;
	_ =	strace $0x9FFFFFFF  }
0xc2: {  	(tm) =	ssettm $0x7FFFFFFF  }
0xc3: {  	_ =	shalt  }
tec
execute0_lowered:
.L_overlay_start_1:
0x0: {  	(tag) =	ssettag $0x1  }
0x1: {  	s3 =	rddreg [dreg:$0x0];
	s1 =	srdreg.scid  }
0x2: {  	s0 =	stileid.u32;
	s5 =	rddreg [dreg:$0x1]  }
0x3: {  	s2 =	simm.s32 $0x0;
	s9 =	simm.s32 $0x280;
	s10 =	simm.s32 $0x1280  }
0x4: {  	s11 =	simm.s32 $0x100;
	s12 =	simm.s32 $0x2280;
	s13 =	simm.s32 $0x180  }
0x5: {  	s14 =	simm.s32 $0x3280;
	s15 =	simm.s32 $0x200;
	s16 =	simm.s32 $0x4280  }
0x6: {  	s17 =	simm.s32 $0x1;
	s18 =	simm.s32 $0x5280;
	s19 =	simm.s32 $0x0  }
0x7: {  	s4 =	sand.u32 $0x1, s1;
	s6 =	sshll.u32 s0, $0x1;
	s1 =	rddreg [dreg:$0x2]  }
0x8: {  	[smem:$0x7FF] =	sst s2;
	s6 =	sor.u32 s4, s6;
	s4 =	ssub.s32 $0x2, s4  }
0x9: {  	s7 =	smul.u32 $0x50, s6;
	s8 =	sshrl.u32 s4, $0x1;
	s6 =	sshll.u32 s6, $0x7  }
0xa: {  	_ =	strace $0x80000047;
	s8 =	ssub.s32 s4, s8;
	s5 =	sadd.s32 s5, s6  }
0xb: {  	s7 =	sadd.s32 s7, s3;
	s3 =	sadd.s32 $0x2000, s3;
	s6 =	smax.u32 s8, $0x1  }
0xc: {  	s8 =	simm.s32 $0x80;
	s4 =	sadd.s32 $0x1600, s7;
	s7 =	simm.s32 $0x2  }
.LBB2_1:
0xd: {  	[tilespmem:s2], [sflag:$0x2] =	stream.linear.gather [hbm4b:s4+s2], $0x280, $0x38;
	[tilespmem:$0x5680] =	vst v63  }
0xe: {  	_ =	swait.ge [sflag:s7], $0x280  }
0xf: {  	[sflag:s7] =	ssyncset.done $0x0  }
0x10: {  	[sflag:s7] =	ssyncadd.s32 $0xFFFFFD80  }
0x11: {  	[tilespmem:s9], [sflag:$0x1] =	stream.indirect.gather [hbm4b:s3+s8], $0x20, s2, s8, $0xb8;
	[tilespmem:$0x5680] =	vst v63  }
0x12: {  	_ = 	snop  }
0x13: {  	[tilespmem:s10], [sflag:$0x1] =	stream.indirect.gather [hbm4b:s3+s8], $0x20, s8, s8, $0xb8;
	[tilespmem:$0x5680] =	vst v63  }
0x14: {  	_ = 	snop  }
0x15: {  	[tilespmem:s12], [sflag:$0x1] =	stream.indirect.gather [hbm4b:s3+s8], $0x20, s11, s8, $0xb8;
	[tilespmem:$0x5680] =	vst v63  }
0x16: {  	_ = 	snop  }
0x17: {  	[tilespmem:s14], [sflag:$0x1] =	stream.indirect.gather [hbm4b:s3+s8], $0x20, s13, s8, $0xb8;
	[tilespmem:$0x5680] =	vst v63  }
0x18: {  	_ = 	snop  }
0x19: {  	[tilespmem:s16], [sflag:$0x1] =	stream.indirect.gather [hbm4b:s3+s8], $0x20, s15, s8, $0xb8;
	[tilespmem:$0x5680] =	vst v63  }
0x1a: {  	_ =	swait.ge [sflag:s17], $0x1000  }
0x1b: {  	[sflag:s17] =	ssyncset.done $0x0  }
0x1c: {  	[sflag:s17] =	ssyncadd.s32 $0xFFFFF000  }
0x1d: {  	_ =	swait.ge [sflag:s17], $0x1000  }
0x1e: {  	[sflag:s17] =	ssyncset.done $0x0  }
0x1f: {  	[sflag:s17] =	ssyncadd.s32 $0xFFFFF000  }
0x20: {  	_ =	swait.ge [sflag:s17], $0x1000  }
0x21: {  	[sflag:s17] =	ssyncset.done $0x0  }
0x22: {  	[sflag:s17] =	ssyncadd.s32 $0xFFFFF000  }
0x23: {  	_ =	swait.ge [sflag:s17], $0x1000  }
0x24: {  	[sflag:s17] =	ssyncset.done $0x0  }
0x25: {  	[sflag:s17] =	ssyncadd.s32 $0xFFFFF000  }
0x26: {  	_ =	swait.ge [sflag:s17], $0x1000  }
0x27: {  	[sflag:s17] =	ssyncset.done $0x0  }
0x28: {  	s20 =	simm.s32 $0x3C0;
	[sflag:s17] =	ssyncadd.s32 $0xFFFFF000  }
0x29: {  	v0 =	vld [tilespmem:s20+$0xFFFFFEC0]  }
0x2a: {  	v1 =	vld [tilespmem:s20+$0xFFFFFED0]  }
0x2b: {  	v2 =	vld [tilespmem:s20+$0xFFFFFEE0]  }
0x2c: {  	v3 =	vld [tilespmem:s20+$0xFFFFFEF0]  }
0x2d: {  	v4 =	vld [tilespmem:s20+$0xFFFFFF00]  }
0x2e: {  	v5 =	vld [tilespmem:s20+$0xFFFFFF10];
	v0 =	vadd.f32 $0.0e+00, v0  }
0x2f: {  	v6 =	vld [tilespmem:s20+$0xFFFFFF20]  }
0x30: {  	v7 =	vld [tilespmem:s20+$0xFFFFFF40];
	v1 =	vadd.f32 $0.0e+00, v1;
	v0 =	vadd.f32 v2, v0  }
0x31: {  	v2 =	vld [tilespmem:s20+$0xFFFFFF30]  }
0x32: {  	v44 =	vld [tilespmem:s20+$0xFFFFFF60];
	v1 =	vadd.f32 v3, v1;
	v0 =	vadd.f32 v4, v0  }
0x33: {  	v3 =	vld [tilespmem:s20+$0xFFFFFF50]  }
0x34: {  	v45 =	vld [tilespmem:s20+$0xFFFFFF70];
	v1 =	vadd.f32 v5, v1;
	v0 =	vadd.f32 v6, v0  }
0x35: {  	v46 =	vld [tilespmem:s20+$0xFFFFFF80]  }
0x36: {  	v47 =	vld [tilespmem:s20+$0xFFFFFFA0];
	v1 =	vadd.f32 v2, v1;
	v0 =	vadd.f32 v7, v0  }
0x37: {  	v2 =	vld [tilespmem:s20+$0xFFFFFF90]  }
0x38: {  	v48 =	vld [tilespmem:s20+$0xFFFFFFC0];
	v1 =	vadd.f32 v3, v1;
	v0 =	vadd.f32 v44, v0  }
0x39: {  	v3 =	vld [tilespmem:s20+$0xFFFFFFB0]  }
0x3a: {  	v49 =	vld [tilespmem:s20+$0xFFFFFFD0];
	v1 =	vadd.f32 v45, v1;
	v0 =	vadd.f32 v46, v0  }
0x3b: {  	v50 =	vld [tilespmem:s20+$0xFFFFFFE0]  }
0x3c: {  	v51 =	vld [tilespmem:s20+$0x0];
	v1 =	vadd.f32 v2, v1;
	v0 =	vadd.f32 v47, v0  }
0x3d: {  	v2 =	vld [tilespmem:s20+$0xFFFFFFF0]  }
0x3e: {  	v52 =	vld [tilespmem:s20+$0x20];
	v1 =	vadd.f32 v3, v1;
	v0 =	vadd.f32 v48, v0  }
0x3f: {  	v3 =	vld [tilespmem:s20+$0x10]  }
0x40: {  	v53 =	vld [tilespmem:s20+$0x30];
	v1 =	vadd.f32 v49, v1;
	v0 =	vadd.f32 v50, v0  }
0x41: {  	v54 =	vld [tilespmem:s20+$0x40]  }
0x42: {  	v55 =	vld [tilespmem:s20+$0x60];
	v1 =	vadd.f32 v2, v1;
	v0 =	vadd.f32 v51, v0  }
0x43: {  	v2 =	vld [tilespmem:s20+$0x50]  }
0x44: {  	v56 =	vld [tilespmem:s20+$0x80];
	v1 =	vadd.f32 v3, v1;
	v0 =	vadd.f32 v52, v0  }
0x45: {  	v3 =	vld [tilespmem:s20+$0x70]  }
0x46: {  	v57 =	vld [tilespmem:s20+$0x90];
	v1 =	vadd.f32 v53, v1;
	v0 =	vadd.f32 v54, v0  }
0x47: {  	v58 =	vld [tilespmem:s20+$0xA0]  }
0x48: {  	v59 =	vld [tilespmem:s20+$0xC0];
	v1 =	vadd.f32 v2, v1;
	v0 =	vadd.f32 v55, v0  }
0x49: {  	v2 =	vld [tilespmem:s20+$0xB0]  }
0x4a: {  	v60 =	vld [tilespmem:s20+$0xE0];
	v1 =	vadd.f32 v3, v1;
	v0 =	vadd.f32 v56, v0  }
0x4b: {  	v3 =	vld [tilespmem:s20+$0xD0]  }
0x4c: {  	v61 =	vld [tilespmem:s20+$0xF0];
	v1 =	vadd.f32 v57, v1;
	v0 =	vadd.f32 v58, v0  }
0x4d: {  	v62 =	vld [tilespmem:s20+$0x100]  }
0x4e: {  	v63 =	vld [tilespmem:s20+$0x120];
	v1 =	vadd.f32 v2, v1;
	v0 =	vadd.f32 v59, v0  }
0x4f: {  	v2 =	vld [tilespmem:s20+$0x110]  }
0x50: {  	v1 =	vadd.f32 v3, v1;
	v0 =	vadd.f32 v60, v0  }
0x51: {  	v3 =	vld [tilespmem:s20+$0x130]  }
0x52: {  	v1 =	vadd.f32 v61, v1;
	v0 =	vadd.f32 v62, v0;
	_ =	sdelay $0x1  }
0x53: {  	v1 =	vadd.f32 v2, v1;
	v0 =	vadd.f32 v63, v0;
	_ =	sdelay $0x1  }
0x54: {  	v1 =	vadd.f32 v3, v1;
	v2 =	vmul.f32 $5.000000070e-02, v0  }
0x55: {  	s22 =	simm.s32 $0x0  }
0x56: {  	s21 =	simm.s32 $0x80;
	v0 =	vmul.f32 $5.000000070e-02, v1;
	[tilespmem:s22+$0x5280] =	vst v2  }
.LBB2_2:
0x57: {  	p0 =	sne.s32 s21, $0xF80  }
0x58: {  	[tilespmem:s22+$0x5290] =	vst v0;
	s20 =	sadd.s32 $0x280, s20;
	s22 =	smov.u32 s21;
	s21 =	sadd.s32 $0x80, s21  }
0x59: {  	v0 =	vld [tilespmem:s20+$0xFFFFFEC0]  }
0x5a: {  	v1 =	vld [tilespmem:s20+$0xFFFFFED0]  }
0x5b: {  	v2 =	vld [tilespmem:s20+$0xFFFFFEE0]  }
0x5c: {  	v3 =	vld [tilespmem:s20+$0xFFFFFEF0]  }
0x5d: {  	v4 =	vld [tilespmem:s20+$0xFFFFFF00]  }
0x5e: {  	v0 =	vadd.f32 $0.0e+00, v0;
	v5 =	vld [tilespmem:s20+$0xFFFFFF10]  }
0x5f: {  	v1 =	vadd.f32 $0.0e+00, v1;
	v6 =	vld [tilespmem:s20+$0xFFFFFF20]  }
0x60: {  	v0 =	vadd.f32 v2, v0;
	v2 =	vld [tilespmem:s20+$0xFFFFFF30]  }
0x61: {  	v1 =	vadd.f32 v3, v1;
	v3 =	vld [tilespmem:s20+$0xFFFFFF40]  }
0x62: {  	v0 =	vadd.f32 v4, v0;
	v4 =	vld [tilespmem:s20+$0xFFFFFF50]  }
0x63: {  	v1 =	vadd.f32 v5, v1;
	v5 =	vld [tilespmem:s20+$0xFFFFFF60]  }
0x64: {  	v0 =	vadd.f32 v6, v0;
	v6 =	vld [tilespmem:s20+$0xFFFFFF70]  }
0x65: {  	v1 =	vadd.f32 v2, v1;
	v2 =	vld [tilespmem:s20+$0xFFFFFF80]  }
0x66: {  	v0 =	vadd.f32 v3, v0;
	v3 =	vld [tilespmem:s20+$0xFFFFFF90]  }
0x67: {  	v1 =	vadd.f32 v4, v1;
	v4 =	vld [tilespmem:s20+$0xFFFFFFA0]  }
0x68: {  	v0 =	vadd.f32 v5, v0;
	v5 =	vld [tilespmem:s20+$0xFFFFFFB0]  }
0x69: {  	v1 =	vadd.f32 v6, v1;
	v6 =	vld [tilespmem:s20+$0xFFFFFFC0]  }
0x6a: {  	v0 =	vadd.f32 v2, v0;
	v2 =	vld [tilespmem:s20+$0xFFFFFFD0]  }
0x6b: {  	v1 =	vadd.f32 v3, v1;
	v3 =	vld [tilespmem:s20+$0xFFFFFFE0]  }
0x6c: {  	v0 =	vadd.f32 v4, v0;
	v4 =	vld [tilespmem:s20+$0xFFFFFFF0]  }
0x6d: {  	v1 =	vadd.f32 v5, v1;
	v5 =	vld [tilespmem:s20+$0x0]  }
0x6e: {  	v0 =	vadd.f32 v6, v0;
	v6 =	vld [tilespmem:s20+$0x10]  }
0x6f: {  	v1 =	vadd.f32 v2, v1;
	v2 =	vld [tilespmem:s20+$0x20]  }
0x70: {  	v0 =	vadd.f32 v3, v0;
	v3 =	vld [tilespmem:s20+$0x30]  }
0x71: {  	v1 =	vadd.f32 v4, v1;
	v4 =	vld [tilespmem:s20+$0x40]  }
0x72: {  	v0 =	vadd.f32 v5, v0;
	v5 =	vld [tilespmem:s20+$0x50]  }
0x73: {  	v1 =	vadd.f32 v6, v1;
	v6 =	vld [tilespmem:s20+$0x60]  }
0x74: {  	v0 =	vadd.f32 v2, v0;
	v2 =	vld [tilespmem:s20+$0x70]  }
0x75: {  	v1 =	vadd.f32 v3, v1;
	v3 =	vld [tilespmem:s20+$0x80]  }
0x76: {  	v0 =	vadd.f32 v4, v0;
	v4 =	vld [tilespmem:s20+$0x90]  }
0x77: {  	v1 =	vadd.f32 v5, v1;
	v5 =	vld [tilespmem:s20+$0xA0]  }
0x78: {  	v0 =	vadd.f32 v6, v0;
	v6 =	vld [tilespmem:s20+$0xB0]  }
0x79: {  	v1 =	vadd.f32 v2, v1;
	v2 =	vld [tilespmem:s20+$0xC0]  }
0x7a: {  	v0 =	vadd.f32 v3, v0;
	v3 =	vld [tilespmem:s20+$0xD0]  }
0x7b: {  	v1 =	vadd.f32 v4, v1;
	v4 =	vld [tilespmem:s20+$0xE0]  }
0x7c: {  	v0 =	vadd.f32 v5, v0;
	v5 =	vld [tilespmem:s20+$0xF0]  }
0x7d: {  	v1 =	vadd.f32 v6, v1;
	v6 =	vld [tilespmem:s20+$0x100]  }
0x7e: {  	v0 =	vadd.f32 v2, v0;
	v2 =	vld [tilespmem:s20+$0x110]  }
0x7f: {  	v1 =	vadd.f32 v3, v1;
	v3 =	vld [tilespmem:s20+$0x120]  }
0x80: {  	v0 =	vadd.f32 v4, v0;
	v4 =	vld [tilespmem:s20+$0x130]  }
0x81: {  	v1 =	vadd.f32 v5, v1  }
0x82: {  	v0 =	vadd.f32 v6, v0  }
0x83: {  	v1 =	vadd.f32 v2, v1  }
.Ltmp0:
0x84: {  	v0 =	vadd.f32 v3, v0;
	(pc) =	sbr.rel @p0 .LBB2_2-.Ltmp0, $4  }
0x85: {  	v1 =	vadd.f32 v4, v1  }
0x86: {  	v2 =	vmul.f32 $5.000000070e-02, v0  }
0x87: {  	s22 =	sshra.s32 s22, $0x2;
	v0 =	vmul.f32 $5.000000070e-02, v1  }
0x88: {  	[tilespmem:s22+$0x5280] =	vst v2  }
0x89: {  	s19 =	sadd.s32 $0x1, s19  }
0x8a: {  	p0 =	sne.s32 s19, s6  }
.Ltmp1:
0x8b: {  	[tilespmem:s22+$0x5290] =	vst v0;
	(pc) =	sbr.rel @p0 .LBB2_1-.Ltmp1, $4  }
0x8c: {  	[hbm4b:s5+s2] =	stream.linear.scatter [tilespmem:s18], [sflag:$0x2], $0x400, $0x38;
	[tilespmem:$0x5680] =	vst v63  }
0x8d: {  	_ =	swait.ge [sflag:s7], $0x400  }
0x8e: {  	[sflag:s7] =	ssyncset.done $0x0  }
0x8f: {  	[sflag:s7] =	ssyncadd.s32 $0xFFFFFC00  }
0x90: {  	_ =	sfence.sel $0x180000  }
0x91: {  	[bflag:$0x0] =	sbarrier.arrive $0xFFFF  }
0x92: {  	p0 =	sne.s32 s0, $0x0;
	_ =	strace $0x90000047  }
0x93: {  	s0 =	sadd.s32 @!p0 $0x100000, s1;
	[bflag:$0x2] =	sbarrier.arrive $0xFFFF  }
0x94: {  	[sflag:s0] =	ssyncadd.tile.s32 @!p0 $0x1;
	_ =	shalt  }
.Lfunc_end2:
_tile_overlayer_lowered:
.L_overlay_start_2:
0x95: {  	(tag) =	ssettag $0x2  }
0x96: {  	s0 =	rddreg [dreg:$0x0];
	s2 =	stileid.u32  }
0x97: {  	s1 =	rddreg [dreg:$0x1];
	p0 =	sne.s32 s2, $0x0  }
0x98: {  	s3 =	rddreg [dreg:$0x2];
	[bflag:$0x3] =	sbarrier.arrive $0xFFFF;
	s2 =	simm.s32 @!p0 $0x1C02  }
0x99: {  	[timem:s3], [sflag:s2] =	dma.local @!p0 [hbm:s0], s1  }
0x9a: {  	s0 =	simm.s32 @!p0 $0x2  }
0x9b: {  	_ =	swait.ge @!p0 [sflag:s0], s1  }
0x9c: {  	s1 =	ssub.s32 @!p0 $0x0, s1;
	[sflag:s0] =	ssyncset.done @!p0 $0x0  }
0x9d: {  	[sflag:s0] =	ssyncadd.s32 @!p0 s1  }
0x9e: {  	[bflag:$0x3] =	sbarrier.arrive $0xFFFF  }
0x9f: {  	_ =	shalt  }

</sc_bundles>
